<compile_context>
chip_gen: v7x
topology: tpu7x:2x2x1
jax: 0.10.2.dev20260603
libtpu: 0.0.44.dev20260713+nightly
codegen_flags: <defaults>
</compile_context>

<pallas_src>
import functools

import jax
import jax.numpy as jnp
import numpy as np
from jax import lax
from jax.experimental import pallas as pl
from jax.experimental.pallas import tpu as pltpu
from jax.experimental.pallas import tpu_sc as plsc

_AUGD = 128

_VOCAB = 1000
_BATCH = 4096
_DIM = 64
_K = 100
_BACKOFF = 1e-10

_BB = 512
_NB = _BATCH // _BB


def _np_threefry2x32(k1, k2, x0, x1):
    rot = ((13, 15, 26, 6), (17, 29, 16, 24))
    ks = (np.uint32(k1), np.uint32(k2),
          np.uint32(k1) ^ np.uint32(k2) ^ np.uint32(0x1BD11BDA))
    x0 = (x0 + ks[0]).astype(np.uint32)
    x1 = (x1 + ks[1]).astype(np.uint32)
    for i in range(5):
        for r in rot[i % 2]:
            x0 = (x0 + x1).astype(np.uint32)
            x1 = ((x1 << np.uint32(r)) | (x1 >> np.uint32(32 - r))).astype(np.uint32)
            x1 = x1 ^ x0
        x0 = (x0 + ks[(i + 1) % 3]).astype(np.uint32)
        x1 = (x1 + ks[(i + 2) % 3] + np.uint32(i + 1)).astype(np.uint32)
    return x0, x1


@functools.lru_cache(maxsize=1)
def _gumbel_const():
    n = _BATCH * _VOCAB
    b1, b2 = _np_threefry2x32(0, 42, np.zeros(n, np.uint32),
                              np.arange(n, dtype=np.uint32))
    bits = b1 ^ b2
    f = ((bits >> np.uint32(9)) | np.uint32(0x3F800000)).view(np.float32)
    m = f - np.float32(1.0)
    span = np.float32(1.0) - np.float32(1e-20)
    u = np.maximum(np.float32(1e-20), m * span + np.float32(1e-20))
    g = -np.log(-np.log(u, dtype=np.float32), dtype=np.float32)
    return g.reshape(_BATCH, _VOCAB)


@functools.lru_cache(maxsize=1)
def _gumbel_rank100():
    g = _gumbel_const()
    return np.partition(g, _VOCAB - _K, axis=1)[:, _VOCAB - _K].reshape(_BATCH, 1)


def _key_of(x):
    b = lax.bitcast_convert_type(x, jnp.int32)
    return jnp.where(b >= 0, b, b ^ jnp.int32(0x7FFFFFFF))


def _val_of(k):
    b = jnp.where(k >= 0, k, k ^ jnp.int32(0x7FFFFFFF))
    return lax.bitcast_convert_type(b, jnp.float32)


def _sc_gather_call(aug, tgt1d):
    info = plsc.get_sparse_core_info()
    nc, ns = info.num_cores, info.num_subcores
    nw = nc * ns
    bpw = _BATCH // nw
    mesh = plsc.VectorSubcoreMesh(core_axis_name="c", subcore_axis_name="s")

    @functools.partial(
        pl.kernel, mesh=mesh,
        out_type=jax.ShapeDtypeStruct((_BATCH, _AUGD), jnp.float32),
        scratch_types=[
            pltpu.VMEM((bpw,), jnp.int32),
            pltpu.VMEM((bpw, _AUGD), jnp.float32),
            pltpu.SemaphoreType.DMA,
        ],
    )
    def k(aug_hbm, tgt_hbm, out_hbm, idx_v, rows_v, sem):
        wid = lax.axis_index("s") * nc + lax.axis_index("c")
        base = wid * bpw
        pltpu.sync_copy(tgt_hbm.at[pl.ds(base, bpw)], idx_v)
        pltpu.async_copy(aug_hbm.at[idx_v], rows_v, sem).wait()
        pltpu.sync_copy(rows_v, out_hbm.at[pl.ds(base, bpw)])

    return k(aug, tgt1d)


def _ssloss_body(sel_ref, embsT_ref, g_ref, g100_ref, noise_ref,
                 out_ref):
    nv = noise_ref[...]
    s1 = jnp.sum(nv)
    probs = nv / s1
    probsc = jnp.maximum(probs, _BACKOFF)
    s2 = jnp.sum(probsc)
    lp = jnp.log(probsc / s2)

    A = g_ref[...] + lp

    lpmin = jnp.min(lp)
    lpmax = jnp.max(lp)
    g100 = g100_ref[...]
    lo0 = _key_of(g100 + lpmin)
    hi0 = _key_of(g100 + lpmax) + 1

    def cond(c):
        lo, hi = c
        return jnp.any(hi > lo + 1)

    def step(c):
        lo, hi = c
        mid = (lo >> 1) + (hi >> 1) + (lo & hi & 1)
        midf = _val_of(mid)
        cnt = jnp.sum((A >= midf).astype(jnp.int32), axis=1, keepdims=True)
        pred = cnt >= _K
        return jnp.where(pred, mid, lo), jnp.where(pred, hi, mid)

    lo, _ = lax.while_loop(cond, step, (lo0, hi0))
    mask = A >= _val_of(lo)

    S = jnp.dot(sel_ref[...], embsT_ref[...],
                preferred_element_type=jnp.float32)
    L = S - lp

    m = jnp.max(L, axis=1, keepdims=True)
    se = jnp.sum(jnp.where(mask, jnp.exp(L - m), 0.0), axis=1, keepdims=True)
    out_ref[...] = jnp.log(jnp.maximum(se, 1e-30)) + m


def _ssloss_call(sel, embsT, g, g100, noise2d):
    return pl.pallas_call(
        _ssloss_body,
        grid=(_NB,),
        in_specs=[
            pl.BlockSpec((_BB, _DIM), lambda i: (i, 0)),
            pl.BlockSpec((_DIM, _VOCAB), lambda i: (0, 0)),
            pl.BlockSpec((_BB, _VOCAB), lambda i: (i, 0)),
            pl.BlockSpec((_BB, 1), lambda i: (i, 0)),
            pl.BlockSpec((1, _VOCAB), lambda i: (0, 0)),
        ],
        out_specs=pl.BlockSpec((_BB, 1), lambda i: (i, 0)),
        out_shape=jax.ShapeDtypeStruct((_BATCH, 1), jnp.float32),
    )(sel, embsT, g, g100, noise2d)


def _combine_body(lsum_ref, sel_ref, gath_ref, noise_ref, out_ref):
    nv = noise_ref[...]
    s1 = jnp.sum(nv)
    s2 = jnp.sum(jnp.maximum(nv / s1, _BACKOFF))
    gath = gath_ref[...]
    temb = gath[:, :_DIM]
    tn = gath[:, _DIM:_DIM + 1]
    tscore = jnp.sum(sel_ref[...] * temb, axis=1, keepdims=True)
    lp_t = jnp.log(jnp.maximum(tn / s1, _BACKOFF) / s2)
    tl = tscore - lp_t
    lsum = lsum_ref[...]
    mm = jnp.maximum(lsum, tl)
    lrow = jnp.log(jnp.exp(lsum - mm) + jnp.exp(tl - mm)) + mm - tl
    out_ref[...] = jnp.sum(lrow).reshape(1, 1)


def _combine_call(lsum, sel, gath, noise2d):
    return pl.pallas_call(
        _combine_body,
        in_specs=[
            pl.BlockSpec((_BATCH, 1), lambda: (0, 0)),
            pl.BlockSpec((_BATCH, _DIM), lambda: (0, 0)),
            pl.BlockSpec((_BATCH, _AUGD), lambda: (0, 0)),
            pl.BlockSpec((1, _VOCAB), lambda: (0, 0)),
        ],
        out_specs=pl.BlockSpec((1, 1), lambda: (0, 0)),
        out_shape=jax.ShapeDtypeStruct((1, 1), jnp.float32),
    )(lsum, sel, gath, noise2d)


def kernel(target, selection, embs, noise):
    g = jnp.asarray(_gumbel_const())
    g100 = jnp.asarray(_gumbel_rank100())
    embsT = embs.T
    noise2d = noise.reshape(1, _VOCAB)
    tgt1d = target.reshape(-1).astype(jnp.int32)
    aug = jnp.concatenate(
        [embs, jnp.broadcast_to(noise.reshape(_VOCAB, 1), (_VOCAB, _AUGD - _DIM))],
        axis=1)
    gath = _sc_gather_call(aug, tgt1d)
    lsum = _ssloss_call(selection, embsT, g, g100, noise2d)
    total = _combine_call(lsum, selection, gath, noise2d)
    return total[0, 0] / jnp.float32(_BATCH)

# --- scband reference (transcript-rebuilt; emitter-appended) ---
"""Pipeline reference for scband-ssloss-55241869361658 (READ-ONLY COPY).

The authoritative reference and input builder live on the scoring server;
editing this copy changes nothing except your own understanding.
"""

import jax, jax.numpy as jnp
import numpy as np

VOCAB = 1000
BATCH = 4096
DIM = 64
NOISE_RATIO = 100
BACKOFF_PROB = 1e-10


def setup_inputs(seed: int = 0):
    key = jax.random.key(seed)
    k1, k2, k3 = jax.random.split(key, 3)
    target = jax.random.randint(k1, (BATCH, 1), 0, VOCAB)
    selection = jax.random.normal(k2, (BATCH, DIM), dtype=jnp.float32)
    embs = jax.random.normal(k3, (VOCAB, DIM), dtype=jnp.float32)
    noise = jnp.ones((VOCAB,), dtype=jnp.float32)
    return {"target": target, "selection": selection, "embs": embs, "noise": noise}


def _sample_noise(noise, batch, noise_ratio, key):
    # torch.multinomial(weights, k, replacement=False) per row == Gumbel top-k over log-probs
    probs = noise / noise.sum()
    u = jax.random.uniform(key, (batch, noise.shape[0]), minval=1e-20, maxval=1.0)
    g = -jnp.log(-jnp.log(u))
    _, idx = jax.lax.top_k(jnp.log(probs)[None, :] + g, noise_ratio)
    return idx[:, None, :]  # [batch, 1, noise_ratio]


def reference(target, selection, embs, noise):
    batch = target.shape[0]
    noise_samples = _sample_noise(noise, batch, NOISE_RATIO, jax.random.key(42))
    # update_noise buffer
    probs = noise / noise.sum()
    probs = jnp.clip(probs, BACKOFF_PROB)
    logprob_noise = jnp.log(probs / probs.sum())
    logit_noise_in_noise = logprob_noise[noise_samples.reshape(-1)].reshape(noise_samples.shape)
    logit_target_in_noise = logprob_noise[target.reshape(-1)].reshape(target.shape)
    # get_score
    sel = selection.reshape(-1, selection.shape[-1])
    t_idx = target.reshape(-1)
    n_idx = noise_samples[:, 0]  # [batch, K]
    target_batch = embs[t_idx]  # gather [batch, d]
    noise_batch = embs[n_idx]   # gather [batch, K, d]
    target_score = jnp.sum(sel * target_batch, axis=1).reshape(target.shape)
    noise_score = jnp.einsum('bkd,bd->bk', noise_batch, sel).reshape(target.shape[0], target.shape[1], -1)
    # sampled_softmax_loss (beta == 0 path: cross-entropy with label 0)
    ori_logits = jnp.concatenate([target_score[..., None], noise_score], axis=2)
    q_logits = jnp.concatenate([logit_target_in_noise[..., None], logit_noise_in_noise], axis=2)
    logits = ori_logits - q_logits
    loss = jax.nn.logsumexp(logits, axis=-1) - logits[..., 0]
    return loss.mean()

if __name__ == "__main__":
    import jax
    _d = setup_inputs()
    print(jax.jit(kernel)(*tuple(_d.values())))

</pallas_src>

<mosaic_0001>
#map = affine_map<(d0, d1) -> (0, 0)>
#map1 = affine_map<(d0, d1) -> (0)>
module attributes {stable_mosaic.version = 14 : i64} {
  func.func @k(%arg0: i32, %arg1: i32, %arg2: memref<1000x128xf32, #tpu.memory_space<hbm>>, %arg3: memref<4096xi32, #tpu.memory_space<hbm>>, %arg4: memref<4096x128xf32, #tpu.memory_space<hbm>>, %arg5: memref<128xi32, #tpu.memory_space<vmem>>, %arg6: memref<128x128xf32, #tpu.memory_space<vmem>>, %arg7: memref<!tpu.dma_semaphore, #tpu.memory_space<semaphore_mem>>) attributes {dimension_semantics = [#tpu.dimension_semantics<core_parallel>, #tpu.dimension_semantics<subcore_parallel>], iteration_bounds = array<i64: 2, 16>, scalar_prefetch = 0 : i64, scratch_operands = 3 : i64, tpu.core_type = #tpu.core_type<sc_vector_subcore>, window_params = [{transform_indices = #map}, {transform_indices = #map1}, {transform_indices = #map}]} {
    %mul3A = arith.constant 2 : i32
    %mul3A_0 = arith.muli %arg1, %mul3A : i32
    %add3A = arith.addi %mul3A_0, %arg0 : i32
    %mul3A_1 = arith.constant 128 : i32
    %mul3A_2 = arith.muli %add3A, %mul3A_1 : i32
    "tpu.region"() ({
      %run_scoped3A = tpu.sem_alloc : memref<!tpu.dma_semaphore, #tpu.memory_space<semaphore_mem>>
      %dma_start3A_7 = tpu.memref_slice %arg3[%mul3A_2] : memref<4096xi32, #tpu.memory_space<hbm>> -> memref<128xi32, #tpu.memory_space<hbm>>
      %dma_start3A_8 = tpu.memref_slice %arg3[%mul3A_2] : memref<4096xi32, #tpu.memory_space<hbm>> -> memref<128xi32, #tpu.memory_space<hbm>>
      tpu.enqueue_dma source(%dma_start3A_8 : memref<128xi32, #tpu.memory_space<hbm>>) target(%arg5 : memref<128xi32, #tpu.memory_space<vmem>>) target_semaphore(%run_scoped3A : memref<!tpu.dma_semaphore, #tpu.memory_space<semaphore_mem>>)
      %dma_wait3A_9 = tpu.memref_slice %arg3[%mul3A_2] : memref<4096xi32, #tpu.memory_space<hbm>> -> memref<128xi32, #tpu.memory_space<hbm>>
      %dma_wait3A_10 = tpu.memref_slice %arg3[%mul3A_2] : memref<4096xi32, #tpu.memory_space<hbm>> -> memref<128xi32, #tpu.memory_space<hbm>>
      tpu.wait_dma2 semaphore(%run_scoped3A : memref<!tpu.dma_semaphore, #tpu.memory_space<semaphore_mem>>) src(%dma_wait3A_10 : memref<128xi32, #tpu.memory_space<hbm>>) dst(%arg5 : memref<128xi32, #tpu.memory_space<vmem>>)
      tpu.yield
    }) : () -> ()
    %dma_start3A = arith.constant 0 : i32
    %dma_start3A_3 = arith.constant 0 : i32
    %dma_start3A_4 = tpu.memref_slice %arg2[%dma_start3A, %dma_start3A_3] : memref<1000x128xf32, #tpu.memory_space<hbm>> -> memref<1000x128xf32, #tpu.memory_space<hbm>>
    tpu.enqueue_indirect_dma source(%dma_start3A_4 : memref<1000x128xf32, #tpu.memory_space<hbm>>) target(%arg6 : memref<128x128xf32, #tpu.memory_space<vmem>>) offsets(%arg5 : memref<128xi32, #tpu.memory_space<vmem>>) semaphore(%arg7 : memref<!tpu.dma_semaphore, #tpu.memory_space<semaphore_mem>>)
    %dma_wait3A = arith.constant 0 : i32
    %dma_wait3A_5 = arith.constant 0 : i32
    %dma_wait3A_6 = tpu.memref_slice %arg2[%dma_wait3A, %dma_wait3A_5] : memref<1000x128xf32, #tpu.memory_space<hbm>> -> memref<1000x128xf32, #tpu.memory_space<hbm>>
    tpu.wait_indirect_dma semaphore(%arg7 : memref<!tpu.dma_semaphore, #tpu.memory_space<semaphore_mem>>) src(%dma_wait3A_6 : memref<1000x128xf32, #tpu.memory_space<hbm>>) dst(%arg6 : memref<128x128xf32, #tpu.memory_space<vmem>>)
    "tpu.region"() ({
      %run_scoped3A = tpu.sem_alloc : memref<!tpu.dma_semaphore, #tpu.memory_space<semaphore_mem>>
      %dma_start3A_7 = arith.constant 0 : i32
      %dma_start3A_8 = tpu.memref_slice %arg4[%mul3A_2, %dma_start3A_7] : memref<4096x128xf32, #tpu.memory_space<hbm>> -> memref<128x128xf32, #tpu.memory_space<hbm>>
      %dma_start3A_9 = arith.constant 0 : i32
      %dma_start3A_10 = tpu.memref_slice %arg4[%mul3A_2, %dma_start3A_9] : memref<4096x128xf32, #tpu.memory_space<hbm>> -> memref<128x128xf32, #tpu.memory_space<hbm>>
      tpu.enqueue_dma source(%arg6 : memref<128x128xf32, #tpu.memory_space<vmem>>) target(%dma_start3A_10 : memref<128x128xf32, #tpu.memory_space<hbm>>) target_semaphore(%run_scoped3A : memref<!tpu.dma_semaphore, #tpu.memory_space<semaphore_mem>>)
      %dma_wait3A_11 = arith.constant 0 : i32
      %dma_wait3A_12 = tpu.memref_slice %arg4[%mul3A_2, %dma_wait3A_11] : memref<4096x128xf32, #tpu.memory_space<hbm>> -> memref<128x128xf32, #tpu.memory_space<hbm>>
      %dma_wait3A_13 = arith.constant 0 : i32
      %dma_wait3A_14 = tpu.memref_slice %arg4[%mul3A_2, %dma_wait3A_13] : memref<4096x128xf32, #tpu.memory_space<hbm>> -> memref<128x128xf32, #tpu.memory_space<hbm>>
      tpu.wait_dma2 semaphore(%run_scoped3A : memref<!tpu.dma_semaphore, #tpu.memory_space<semaphore_mem>>) src(%arg6 : memref<128x128xf32, #tpu.memory_space<vmem>>) dst(%dma_wait3A_14 : memref<128x128xf32, #tpu.memory_space<hbm>>)
      tpu.yield
    }) : () -> ()
    return
  }
}

module attributes {stable_mosaic.version = 14 : i64} {
  func.func @_ssloss_body(%arg0: i32, %arg1: memref<512x64xf32, #tpu.memory_space<vmem>>, %arg2: memref<64x1000xf32, #tpu.memory_space<vmem>>, %arg3: memref<512x1000xf32, #tpu.memory_space<vmem>>, %arg4: memref<512x1xf32, #tpu.memory_space<vmem>>, %arg5: memref<1x1000xf32, #tpu.memory_space<vmem>>, %arg6: memref<512x1xf32, #tpu.memory_space<vmem>>) attributes {dimension_semantics = [#tpu.dimension_semantics<arbitrary>], iteration_bounds = array<i64: 8>, scalar_prefetch = 0 : i64, scratch_operands = 0 : i64, tpu.core_type = #tpu.core_type<tc>, window_params = [{transform_indices = @transform_0, window_bounds = array<i64: 512, 64>}, {pipeline_mode = #tpu.pipeline_mode<synchronous>, transform_indices = @transform_1, window_bounds = array<i64: 64, 1000>}, {transform_indices = @transform_2, window_bounds = array<i64: 512, 1000>}, {transform_indices = @transform_3, window_bounds = array<i64: 512, 1>}, {pipeline_mode = #tpu.pipeline_mode<synchronous>, transform_indices = @transform_4, window_bounds = array<i64: 1, 1000>}, {transform_indices = @transform_5, window_bounds = array<i64: 512, 1>}]} {
    %get3A = arith.constant 0 : index
    %get3A_0 = arith.constant 0 : index
    %get3A_1 = vector.load %arg5[%get3A, %get3A_0] : memref<1x1000xf32, #tpu.memory_space<vmem>>, vector<1x1000xf32>
    %reduce_sum3A = vector.shape_cast %get3A_1 : vector<1x1000xf32> to vector<1x1x1000xf32>
    %reduce_sum3A_2 = arith.constant dense<0.000000e+00> : vector<1xf32>
    %reduce_sum3A_3 = vector.multi_reduction <add>, %reduce_sum3A, %reduce_sum3A_2 [1, 2] : vector<1x1x1000xf32> to vector<1xf32>
    %reduce_sum3A_4 = vector.shape_cast %reduce_sum3A_3 : vector<1xf32> to vector<1x1x1xf32>
    %reduce_sum3A_5 = vector.extract %reduce_sum3A_4[0, 0, 0] : f32 from vector<1x1x1xf32>
    %div3A = vector.broadcast %reduce_sum3A_5 : f32 to vector<1x1000xf32>
    %div3A_6 = arith.divf %get3A_1, %div3A : vector<1x1000xf32>
    %max3A = arith.constant 1.000000e-10 : f32
    %max3A_7 = vector.broadcast %max3A : f32 to vector<1x1000xf32>
    %max3A_8 = arith.maximumf %div3A_6, %max3A_7 : vector<1x1000xf32>
    %reduce_sum3A_9 = vector.shape_cast %max3A_8 : vector<1x1000xf32> to vector<1x1x1000xf32>
    %reduce_sum3A_10 = arith.constant dense<0.000000e+00> : vector<1xf32>
    %reduce_sum3A_11 = vector.multi_reduction <add>, %reduce_sum3A_9, %reduce_sum3A_10 [1, 2] : vector<1x1x1000xf32> to vector<1xf32>
    %reduce_sum3A_12 = vector.shape_cast %reduce_sum3A_11 : vector<1xf32> to vector<1x1x1xf32>
    %reduce_sum3A_13 = vector.extract %reduce_sum3A_12[0, 0, 0] : f32 from vector<1x1x1xf32>
    %div3A_14 = vector.broadcast %reduce_sum3A_13 : f32 to vector<1x1000xf32>
    %div3A_15 = arith.divf %max3A_8, %div3A_14 : vector<1x1000xf32>
    %log3A = math.log %div3A_15 : vector<1x1000xf32>
    %get3A_16 = arith.constant 0 : index
    %get3A_17 = arith.constant 0 : index
    %get3A_18 = vector.load %arg3[%get3A_16, %get3A_17] : memref<512x1000xf32, #tpu.memory_space<vmem>>, vector<512x1000xf32>
    %add3A = vector.broadcast %log3A : vector<1x1000xf32> to vector<512x1000xf32>
    %add3A_19 = arith.addf %get3A_18, %add3A : vector<512x1000xf32>
    %reduce_min3A = vector.shape_cast %log3A : vector<1x1000xf32> to vector<1x1x1000xf32>
    %reduce_min3A_20 = arith.constant dense<0x7F800000> : vector<1xf32>
    %reduce_min3A_21 = vector.multi_reduction <minimumf>, %reduce_min3A, %reduce_min3A_20 [1, 2] : vector<1x1x1000xf32> to vector<1xf32>
    %reduce_min3A_22 = vector.shape_cast %reduce_min3A_21 : vector<1xf32> to vector<1x1x1xf32>
    %reduce_min3A_23 = vector.extract %reduce_min3A_22[0, 0, 0] : f32 from vector<1x1x1xf32>
    %reduce_max3A = vector.shape_cast %log3A : vector<1x1000xf32> to vector<1x1x1000xf32>
    %reduce_max3A_24 = arith.constant dense<0xFF800000> : vector<1xf32>
    %reduce_max3A_25 = vector.multi_reduction <maximumf>, %reduce_max3A, %reduce_max3A_24 [1, 2] : vector<1x1x1000xf32> to vector<1xf32>
    %reduce_max3A_26 = vector.shape_cast %reduce_max3A_25 : vector<1xf32> to vector<1x1x1xf32>
    %reduce_max3A_27 = vector.extract %reduce_max3A_26[0, 0, 0] : f32 from vector<1x1x1xf32>
    %get3A_28 = arith.constant 0 : index
    %get3A_29 = arith.constant 0 : index
    %get3A_30 = vector.load %arg4[%get3A_28, %get3A_29] : memref<512x1xf32, #tpu.memory_space<vmem>>, vector<512x1xf32>
    %add3A_31 = vector.broadcast %reduce_min3A_23 : f32 to vector<512x1xf32>
    %add3A_32 = arith.addf %get3A_30, %add3A_31 : vector<512x1xf32>
    %bitcast_convert_type3A = tpu.bitcast %add3A_32 : vector<512x1xf32> -> vector<512x1xi32>
    %ge3A = arith.constant 0 : i32
    %ge3A_33 = vector.broadcast %ge3A : i32 to vector<512x1xi32>
    %ge3A_34 = arith.cmpi sge, %bitcast_convert_type3A, %ge3A_33 : vector<512x1xi32>
    %xor3A = arith.constant 2147483647 : i32
    %xor3A_35 = vector.broadcast %xor3A : i32 to vector<512x1xi32>
    %xor3A_36 = arith.xori %bitcast_convert_type3A, %xor3A_35 : vector<512x1xi32>
    %select_n3A = arith.select %ge3A_34, %bitcast_convert_type3A, %xor3A_36 : vector<512x1xi1>, vector<512x1xi32>
    %add3A_37 = vector.broadcast %reduce_max3A_27 : f32 to vector<512x1xf32>
    %add3A_38 = arith.addf %get3A_30, %add3A_37 : vector<512x1xf32>
    %bitcast_convert_type3A_39 = tpu.bitcast %add3A_38 : vector<512x1xf32> -> vector<512x1xi32>
    %ge3A_40 = arith.constant 0 : i32
    %ge3A_41 = vector.broadcast %ge3A_40 : i32 to vector<512x1xi32>
    %ge3A_42 = arith.cmpi sge, %bitcast_convert_type3A_39, %ge3A_41 : vector<512x1xi32>
    %xor3A_43 = arith.constant 2147483647 : i32
    %xor3A_44 = vector.broadcast %xor3A_43 : i32 to vector<512x1xi32>
    %xor3A_45 = arith.xori %bitcast_convert_type3A_39, %xor3A_44 : vector<512x1xi32>
    %select_n3A_46 = arith.select %ge3A_42, %bitcast_convert_type3A_39, %xor3A_45 : vector<512x1xi1>, vector<512x1xi32>
    %add3A_47 = arith.constant 1 : i32
    %add3A_48 = vector.broadcast %add3A_47 : i32 to vector<512x1xi32>
    %add3A_49 = arith.addi %select_n3A_46, %add3A_48 : vector<512x1xi32>
    %while3A:2 = scf.while (%while3A_84 = %select_n3A, %while3A_85 = %add3A_49) : (vector<512x1xi32>, vector<512x1xi32>) -> (vector<512x1xi32>, vector<512x1xi32>) {
      %add3A_86 = arith.constant 1 : i32
      %add3A_87 = vector.broadcast %add3A_86 : i32 to vector<512x1xi32>
      %add3A_88 = arith.addi %while3A_84, %add3A_87 : vector<512x1xi32>
      %gt3A = arith.cmpi sgt, %while3A_85, %add3A_88 : vector<512x1xi32>
      %reduce_or3A = arith.constant 1.000000e+00 : f32
      %reduce_or3A_89 = arith.constant 0.000000e+00 : f32
      %reduce_or3A_90 = vector.broadcast %reduce_or3A : f32 to vector<512x1xf32>
      %reduce_or3A_91 = vector.broadcast %reduce_or3A_89 : f32 to vector<512x1xf32>
      %reduce_or3A_92 = arith.select %gt3A, %reduce_or3A_90, %reduce_or3A_91 : vector<512x1xi1>, vector<512x1xf32>
      %reduce_or3A_93 = vector.shape_cast %reduce_or3A_92 : vector<512x1xf32> to vector<1x512x1xf32>
      %reduce_or3A_94 = arith.constant dense<0xFF800000> : vector<1xf32>
      %reduce_or3A_95 = vector.multi_reduction <maximumf>, %reduce_or3A_93, %reduce_or3A_94 [1, 2] : vector<1x512x1xf32> to vector<1xf32>
      %reduce_or3A_96 = vector.shape_cast %reduce_or3A_95 : vector<1xf32> to vector<1x1x1xf32>
      %reduce_or3A_97 = vector.extract %reduce_or3A_96[0, 0, 0] : f32 from vector<1x1x1xf32>
      %reduce_or3A_98 = arith.constant 0.000000e+00 : f32
      %reduce_or3A_99 = arith.cmpf ogt, %reduce_or3A_97, %reduce_or3A_98 : f32
      scf.condition(%reduce_or3A_99) %while3A_84, %while3A_85 : vector<512x1xi32>, vector<512x1xi32>
    } do {
    ^bb0(%while3A_84: vector<512x1xi32>, %while3A_85: vector<512x1xi32>):
      %shift_right_arithmetic3A = arith.constant 1 : i32
      %shift_right_arithmetic3A_86 = vector.broadcast %shift_right_arithmetic3A : i32 to vector<512x1xi32>
      %shift_right_arithmetic3A_87 = arith.shrsi %while3A_84, %shift_right_arithmetic3A_86 : vector<512x1xi32>
      %shift_right_arithmetic3A_88 = arith.constant 1 : i32
      %shift_right_arithmetic3A_89 = vector.broadcast %shift_right_arithmetic3A_88 : i32 to vector<512x1xi32>
      %shift_right_arithmetic3A_90 = arith.shrsi %while3A_85, %shift_right_arithmetic3A_89 : vector<512x1xi32>
      %add3A_91 = arith.addi %shift_right_arithmetic3A_87, %shift_right_arithmetic3A_90 : vector<512x1xi32>
      %and3A = arith.andi %while3A_84, %while3A_85 : vector<512x1xi32>
      %and3A_92 = arith.constant 1 : i32
      %and3A_93 = vector.broadcast %and3A_92 : i32 to vector<512x1xi32>
      %and3A_94 = arith.andi %and3A, %and3A_93 : vector<512x1xi32>
      %add3A_95 = arith.addi %add3A_91, %and3A_94 : vector<512x1xi32>
      %ge3A_96 = arith.constant 0 : i32
      %ge3A_97 = vector.broadcast %ge3A_96 : i32 to vector<512x1xi32>
      %ge3A_98 = arith.cmpi sge, %add3A_95, %ge3A_97 : vector<512x1xi32>
      %xor3A_99 = arith.constant 2147483647 : i32
      %xor3A_100 = vector.broadcast %xor3A_99 : i32 to vector<512x1xi32>
      %xor3A_101 = arith.xori %add3A_95, %xor3A_100 : vector<512x1xi32>
      %select_n3A_102 = arith.select %ge3A_98, %add3A_95, %xor3A_101 : vector<512x1xi1>, vector<512x1xi32>
      %bitcast_convert_type3A_103 = tpu.bitcast %select_n3A_102 : vector<512x1xi32> -> vector<512x1xf32>
      %ge3A_104 = vector.broadcast %bitcast_convert_type3A_103 : vector<512x1xf32> to vector<512x1000xf32>
      %ge3A_105 = arith.cmpf oge, %add3A_19, %ge3A_104 : vector<512x1000xf32>
      %convert_element_type3A = arith.extui %ge3A_105 : vector<512x1000xi1> to vector<512x1000xi32>
      %reduce_sum3A_106 = arith.constant dense<0> : vector<512xi32>
      %reduce_sum3A_107 = vector.multi_reduction <add>, %convert_element_type3A, %reduce_sum3A_106 [1] : vector<512x1000xi32> to vector<512xi32>
      %broadcast_in_dim3A_108 = vector.shape_cast %reduce_sum3A_107 : vector<512xi32> to vector<512x1xi32>
      %ge3A_109 = arith.constant 100 : i32
      %ge3A_110 = vector.broadcast %ge3A_109 : i32 to vector<512x1xi32>
      %ge3A_111 = arith.cmpi sge, %broadcast_in_dim3A_108, %ge3A_110 : vector<512x1xi32>
      %select_n3A_112 = arith.select %ge3A_111, %add3A_95, %while3A_84 : vector<512x1xi1>, vector<512x1xi32>
      %select_n3A_113 = arith.select %ge3A_111, %while3A_85, %add3A_95 : vector<512x1xi1>, vector<512x1xi32>
      scf.yield %select_n3A_112, %select_n3A_113 : vector<512x1xi32>, vector<512x1xi32>
    }
    %ge3A_50 = arith.constant 0 : i32
    %ge3A_51 = vector.broadcast %ge3A_50 : i32 to vector<512x1xi32>
    %ge3A_52 = arith.cmpi sge, %while3A#0, %ge3A_51 : vector<512x1xi32>
    %xor3A_53 = arith.constant 2147483647 : i32
    %xor3A_54 = vector.broadcast %xor3A_53 : i32 to vector<512x1xi32>
    %xor3A_55 = arith.xori %while3A#0, %xor3A_54 : vector<512x1xi32>
    %select_n3A_56 = arith.select %ge3A_52, %while3A#0, %xor3A_55 : vector<512x1xi1>, vector<512x1xi32>
    %bitcast_convert_type3A_57 = tpu.bitcast %select_n3A_56 : vector<512x1xi32> -> vector<512x1xf32>
    %ge3A_58 = vector.broadcast %bitcast_convert_type3A_57 : vector<512x1xf32> to vector<512x1000xf32>
    %ge3A_59 = arith.cmpf oge, %add3A_19, %ge3A_58 : vector<512x1000xf32>
    %get3A_60 = arith.constant 0 : index
    %get3A_61 = arith.constant 0 : index
    %get3A_62 = vector.load %arg1[%get3A_60, %get3A_61] : memref<512x64xf32, #tpu.memory_space<vmem>>, vector<512x64xf32>
    %get3A_63 = arith.constant 0 : index
    %get3A_64 = arith.constant 0 : index
    %get3A_65 = vector.load %arg2[%get3A_63, %get3A_64] : memref<64x1000xf32, #tpu.memory_space<vmem>>, vector<64x1000xf32>
    %dot_general3A = arith.constant dense<0.000000e+00> : vector<512x1000xf32>
    %dot_general3A_66 = tpu.matmul %get3A_62, %get3A_65, %dot_general3A {dimension_numbers = #tpu.dot_dimension_numbers<[1], [0], [0], [1], [0, 0, 1, 1], [], []>, transpose_lhs_hint = false} : vector<512x64xf32>, vector<64x1000xf32>, vector<512x1000xf32> -> vector<512x1000xf32>
    %sub3A = vector.broadcast %log3A : vector<1x1000xf32> to vector<512x1000xf32>
    %sub3A_67 = arith.subf %dot_general3A_66, %sub3A : vector<512x1000xf32>
    %reduce_max3A_68 = arith.constant dense<0xFF800000> : vector<512xf32>
    %reduce_max3A_69 = vector.multi_reduction <maximumf>, %sub3A_67, %reduce_max3A_68 [1] : vector<512x1000xf32> to vector<512xf32>
    %broadcast_in_dim3A = vector.shape_cast %reduce_max3A_69 : vector<512xf32> to vector<512x1xf32>
    %sub3A_70 = vector.broadcast %broadcast_in_dim3A : vector<512x1xf32> to vector<512x1000xf32>
    %sub3A_71 = arith.subf %sub3A_67, %sub3A_70 : vector<512x1000xf32>
    %exp3A = math.exp %sub3A_71 : vector<512x1000xf32>
    %jit3A = arith.constant 0.000000e+00 : f32
    %broadcast_in_dim3A_72 = vector.broadcast %jit3A : f32 to vector<512x1000xf32>
    %select_n3A_73 = arith.select %ge3A_59, %exp3A, %broadcast_in_dim3A_72 : vector<512x1000xi1>, vector<512x1000xf32>
    %reduce_sum3A_74 = arith.constant dense<0.000000e+00> : vector<512xf32>
    %reduce_sum3A_75 = vector.multi_reduction <add>, %select_n3A_73, %reduce_sum3A_74 [1] : vector<512x1000xf32> to vector<512xf32>
    %broadcast_in_dim3A_76 = vector.shape_cast %reduce_sum3A_75 : vector<512xf32> to vector<512x1xf32>
    %max3A_77 = arith.constant 1.000000e-30 : f32
    %max3A_78 = vector.broadcast %max3A_77 : f32 to vector<512x1xf32>
    %max3A_79 = arith.maximumf %broadcast_in_dim3A_76, %max3A_78 : vector<512x1xf32>
    %log3A_80 = math.log %max3A_79 : vector<512x1xf32>
    %add3A_81 = arith.addf %log3A_80, %broadcast_in_dim3A : vector<512x1xf32>
    %swap3A = arith.constant 0 : index
    %swap3A_82 = arith.constant 0 : index
    %swap3A_83 = vector.load %arg6[%swap3A, %swap3A_82] : memref<512x1xf32, #tpu.memory_space<vmem>>, vector<512x1xf32>
    tpu.vector_store %arg6[%swap3A, %swap3A_82], %add3A_81 {strides = array<i32>} : memref<512x1xf32, #tpu.memory_space<vmem>>, vector<512x1xf32>,
    return
  }
  func.func @transform_0(%arg0: i32) -> (i32, i32) {
    %c0_i32 = arith.constant 0 : i32
    %c0_i32_0 = arith.constant 0 : i32
    return %arg0, %c0_i32 : i32, i32
  }
  func.func @transform_1(%arg0: i32) -> (i32, i32) {
    %c0_i32 = arith.constant 0 : i32
    %c0_i32_0 = arith.constant 0 : i32
    %c0_i32_1 = arith.constant 0 : i32
    return %c0_i32, %c0_i32_0 : i32, i32
  }
  func.func @transform_2(%arg0: i32) -> (i32, i32) {
    %c0_i32 = arith.constant 0 : i32
    %c0_i32_0 = arith.constant 0 : i32
    return %arg0, %c0_i32 : i32, i32
  }
  func.func @transform_3(%arg0: i32) -> (i32, i32) {
    %c0_i32 = arith.constant 0 : i32
    %c0_i32_0 = arith.constant 0 : i32
    return %arg0, %c0_i32 : i32, i32
  }
  func.func @transform_4(%arg0: i32) -> (i32, i32) {
    %c0_i32 = arith.constant 0 : i32
    %c0_i32_0 = arith.constant 0 : i32
    %c0_i32_1 = arith.constant 0 : i32
    return %c0_i32, %c0_i32_0 : i32, i32
  }
  func.func @transform_5(%arg0: i32) -> (i32, i32) {
    %c0_i32 = arith.constant 0 : i32
    %c0_i32_0 = arith.constant 0 : i32
    return %arg0, %c0_i32 : i32, i32
  }
}

module attributes {stable_mosaic.version = 14 : i64} {
  func.func @_combine_body(%arg0: memref<4096x1xf32, #tpu.memory_space<vmem>>, %arg1: memref<4096x64xf32, #tpu.memory_space<vmem>>, %arg2: memref<4096x128xf32, #tpu.memory_space<vmem>>, %arg3: memref<1x1000xf32, #tpu.memory_space<vmem>>, %arg4: memref<1x1xf32, #tpu.memory_space<vmem>>) attributes {dimension_semantics = [], scalar_prefetch = 0 : i64, scratch_operands = 0 : i64, tpu.core_type = #tpu.core_type<tc>} {
    %get3A = arith.constant 0 : index
    %get3A_0 = arith.constant 0 : index
    %get3A_1 = vector.load %arg3[%get3A, %get3A_0] : memref<1x1000xf32, #tpu.memory_space<vmem>>, vector<1x1000xf32>
    %reduce_sum3A = vector.shape_cast %get3A_1 : vector<1x1000xf32> to vector<1x1x1000xf32>
    %reduce_sum3A_2 = arith.constant dense<0.000000e+00> : vector<1xf32>
    %reduce_sum3A_3 = vector.multi_reduction <add>, %reduce_sum3A, %reduce_sum3A_2 [1, 2] : vector<1x1x1000xf32> to vector<1xf32>
    %reduce_sum3A_4 = vector.shape_cast %reduce_sum3A_3 : vector<1xf32> to vector<1x1x1xf32>
    %reduce_sum3A_5 = vector.extract %reduce_sum3A_4[0, 0, 0] : f32 from vector<1x1x1xf32>
    %div3A = vector.broadcast %reduce_sum3A_5 : f32 to vector<1x1000xf32>
    %div3A_6 = arith.divf %get3A_1, %div3A : vector<1x1000xf32>
    %max3A = arith.constant 1.000000e-10 : f32
    %max3A_7 = vector.broadcast %max3A : f32 to vector<1x1000xf32>
    %max3A_8 = arith.maximumf %div3A_6, %max3A_7 : vector<1x1000xf32>
    %reduce_sum3A_9 = vector.shape_cast %max3A_8 : vector<1x1000xf32> to vector<1x1x1000xf32>
    %reduce_sum3A_10 = arith.constant dense<0.000000e+00> : vector<1xf32>
    %reduce_sum3A_11 = vector.multi_reduction <add>, %reduce_sum3A_9, %reduce_sum3A_10 [1, 2] : vector<1x1x1000xf32> to vector<1xf32>
    %reduce_sum3A_12 = vector.shape_cast %reduce_sum3A_11 : vector<1xf32> to vector<1x1x1xf32>
    %reduce_sum3A_13 = vector.extract %reduce_sum3A_12[0, 0, 0] : f32 from vector<1x1x1xf32>
    %get3A_14 = arith.constant 0 : index
    %get3A_15 = arith.constant 0 : index
    %get3A_16 = vector.load %arg2[%get3A_14, %get3A_15] : memref<4096x128xf32, #tpu.memory_space<vmem>>, vector<4096x128xf32>
    %slice3A = vector.extract_strided_slice %get3A_16 {offsets = [0, 0], sizes = [4096, 64], strides = [1, 1]} : vector<4096x128xf32> to vector<4096x64xf32>
    %slice3A_17 = vector.extract_strided_slice %get3A_16 {offsets = [0, 64], sizes = [4096, 1], strides = [1, 1]} : vector<4096x128xf32> to vector<4096x1xf32>
    %get3A_18 = arith.constant 0 : index
    %get3A_19 = arith.constant 0 : index
    %get3A_20 = vector.load %arg1[%get3A_18, %get3A_19] : memref<4096x64xf32, #tpu.memory_space<vmem>>, vector<4096x64xf32>
    %mul3A = arith.mulf %get3A_20, %slice3A : vector<4096x64xf32>
    %reduce_sum3A_21 = arith.constant dense<0.000000e+00> : vector<4096xf32>
    %reduce_sum3A_22 = vector.multi_reduction <add>, %mul3A, %reduce_sum3A_21 [1] : vector<4096x64xf32> to vector<4096xf32>
    %broadcast_in_dim3A = vector.shape_cast %reduce_sum3A_22 : vector<4096xf32> to vector<4096x1xf32>
    %div3A_23 = vector.broadcast %reduce_sum3A_5 : f32 to vector<4096x1xf32>
    %div3A_24 = arith.divf %slice3A_17, %div3A_23 : vector<4096x1xf32>
    %max3A_25 = arith.constant 1.000000e-10 : f32
    %max3A_26 = vector.broadcast %max3A_25 : f32 to vector<4096x1xf32>
    %max3A_27 = arith.maximumf %div3A_24, %max3A_26 : vector<4096x1xf32>
    %div3A_28 = vector.broadcast %reduce_sum3A_13 : f32 to vector<4096x1xf32>
    %div3A_29 = arith.divf %max3A_27, %div3A_28 : vector<4096x1xf32>
    %log3A = math.log %div3A_29 : vector<4096x1xf32>
    %sub3A = arith.subf %broadcast_in_dim3A, %log3A : vector<4096x1xf32>
    %get3A_30 = arith.constant 0 : index
    %get3A_31 = arith.constant 0 : index
    %get3A_32 = vector.load %arg0[%get3A_30, %get3A_31] : memref<4096x1xf32, #tpu.memory_space<vmem>>, vector<4096x1xf32>
    %max3A_33 = arith.maximumf %get3A_32, %sub3A : vector<4096x1xf32>
    %sub3A_34 = arith.subf %get3A_32, %max3A_33 : vector<4096x1xf32>
    %exp3A = math.exp %sub3A_34 : vector<4096x1xf32>
    %sub3A_35 = arith.subf %sub3A, %max3A_33 : vector<4096x1xf32>
    %exp3A_36 = math.exp %sub3A_35 : vector<4096x1xf32>
    %add3A = arith.addf %exp3A, %exp3A_36 : vector<4096x1xf32>
    %log3A_37 = math.log %add3A : vector<4096x1xf32>
    %add3A_38 = arith.addf %log3A_37, %max3A_33 : vector<4096x1xf32>
    %sub3A_39 = arith.subf %add3A_38, %sub3A : vector<4096x1xf32>
    %reduce_sum3A_40 = vector.shape_cast %sub3A_39 : vector<4096x1xf32> to vector<1x4096x1xf32>
    %reduce_sum3A_41 = arith.constant dense<0.000000e+00> : vector<1xf32>
    %reduce_sum3A_42 = vector.multi_reduction <add>, %reduce_sum3A_40, %reduce_sum3A_41 [1, 2] : vector<1x4096x1xf32> to vector<1xf32>
    %reduce_sum3A_43 = vector.shape_cast %reduce_sum3A_42 : vector<1xf32> to vector<1x1x1xf32>
    %reduce_sum3A_44 = vector.extract %reduce_sum3A_43[0, 0, 0] : f32 from vector<1x1x1xf32>
    %reshape3A = vector.broadcast %reduce_sum3A_44 : f32 to vector<1x1xf32>
    %swap3A = arith.constant 0 : index
    %swap3A_45 = arith.constant 0 : index
    %swap3A_46 = vector.load %arg4[%swap3A, %swap3A_45] : memref<1x1xf32, #tpu.memory_space<vmem>>, vector<1x1xf32>
    tpu.vector_store %arg4[%swap3A, %swap3A_45], %reshape3A {strides = array<i32>} : memref<1x1xf32, #tpu.memory_space<vmem>>, vector<1x1xf32>,
    return
  }
}

</mosaic_0001>

<sc_bundles>
// kernel: kernel.5.cloned.1.call-start
scs
__scs_entry_jumppad:
0x0: {  	(pc) =	sbr.rel $0x88, $3  }
0x1: {  	(tag) =	ssettag $0x0;
	lr =	simm.s32 $0x1  }
0x2: {  	[smem:$0x3F9D] =	sst lr;
	_ =	strace $0xD0000000  }
0x3: {  	_ = 	snop  }
0x4: {  	_ = 	snop  }
0x5: {  	_ = 	snop  }
0x6: {  	_ = 	snop  }
0x7: {  	_ = 	snop  }
__scs_overlays_trampoline_lowered:
0x8: {  	[smem:$0x3FAC] =	sst s0  }
0x9: {  	[smem:$0x3FAD] =	sst s1  }
0xa: {  	[smem:$0x3FAE] =	sst s2  }
0xb: {  	[smem:$0x3FAF] =	sst s3  }
0xc: {  	[smem:$0x3FB0] =	sst s4  }
0xd: {  	[smem:$0x3FB1] =	sst s5  }
0xe: {  	[smem:$0x3FB2] =	sst s6  }
0xf: {  	[smem:$0x3FB3] =	sst s7  }
0x10: {  	[smem:$0x3FB4] =	sst s8  }
0x11: {  	[smem:$0x3FB5] =	sst s9;
	s0 =	simm.s32 @!p0 $0x0  }
0x12: {  	s1 =	sld [smem:$0x3F9B];
	s0 =	simm.s32 @p0 $0x1  }
0x13: {  	[smem:$0x3FB6] =	sst s0;
	s0 =	simm.s32 @!p1 $0x0  }
0x14: {  	s2 =	sld [smem:$0x3F9A];
	s0 =	simm.s32 @p1 $0x1  }
0x15: {  	[smem:$0x3FB7] =	sst s0;
	s0 =	simm.s32 @!p2 $0x0  }
0x16: {  	s3 =	sld [smem:$0x3FDB];
	s0 =	simm.s32 @p2 $0x1  }
0x17: {  	s4 =	simm.s32 $0x1BF5;
	[smem:$0x3FB9] =	sst s0  }
0x18: {  	s0 =	sld [smem:$0x3F9C];
	_ =	swait.ge [sflag:s4], $0x0  }
0x19: {  	s7 =	sld [smem:$0x3F9D]  }
0x1a: {  	s8 =	sadd.s32 $0xFFFFE003, lr  }
0x1b: {  	s9 =	sadd.s32 $0xFFFFFEF7, lr;
	s5 =	simm.s32 $0xFFFFFFFF;
	p2 =	slt.u32 s8, $0xFFFFF086  }
0x1c: {  	p1 =	slt.u32 s9, $0xF7A;
	s5 =	simm.s32 @!p2 $0x0  }
0x1d: {  	s5 =	simm.s32 @p1 $0x1;
	p0 =	seq.s32 s7, s2  }
0x1e: {  	s7 =	smul.u32 @!p0 $0xF7A, s2;
	p2 =	seq.s32 @!p0 s5, $0x0  }
0x1f: {  	s9 =	smul.u32 $0xF7A, s1;
	s8 =	simm.s32 @!p0 $0x1BF5;
	p2 =	por !p2, p0  }
0x20: {  	[sflag:s8] =	ssyncset.s32 @!p0 $0xFFFFF086;
	s6 =	sadd.s32 @!p0 s3, s7;
	s7 =	simm.s32 @!p0 $0x108  }
0x21: {  	s3 =	sadd.s32 s3, s9;
	s6 =	sadd.s32 @!p0 $0x88, s6;
	s7 =	simm.s32 @p2 $0x1082  }
0x22: {  	[simem:s7], [sflag:s8] =	dma.local @!p0 [hbm:s6], $0xF7A  }
0x23: {  	s9 =	sor.u32 $0xD0000000, s2;
	s6 =	simm.s32 $0x108;
	_ =	swait.ge @!p0 [sflag:s8], $0x0  }
0x24: {  	s3 =	sadd.s32 $0x88, s3;
	s6 =	simm.s32 @!p1 $0x1082;
	[sflag:s4] =	ssyncset.s32 $0xFFFFF086  }
0x25: {  	[simem:s6], [sflag:s4] =	dma.local [hbm:s3], $0xF7A  }
0x26: {  	[smem:$0x3F9D] =	sst s1;
	(tag) =	ssettag s2;
	_ =	strace s9  }
0x27: {  	s1 =	sld [smem:$0x3FAD]  }
0x28: {  	s2 =	sld [smem:$0x3FAE]  }
0x29: {  	s4 =	sld [smem:$0x3FB0]  }
0x2a: {  	p0 =	seq.s32 s5, $0x0;
	s5 =	sld [smem:$0x3FB1]  }
0x2b: {  	s6 =	sld [smem:$0x3FB2]  }
0x2c: {  	s7 =	sld [smem:$0x3FB3]  }
0x2d: {  	s3 =	simm.s32 $0x108;
	s8 =	sld [smem:$0x3FB4]  }
0x2e: {  	s3 =	simm.s32 @!p0 $0x1082;
	s9 =	sld [smem:$0x3FB5]  }
0x2f: {  	lr =	sadd.s32 s0, s3;
	s0 =	sld [smem:$0x3FAC]  }
0x30: {  	s3 =	sld [smem:$0x3FAF]  }
0x31: {  	[smem:$0x3FB8] =	sst s10  }
0x32: {  	s10 =	sld [smem:$0x3FB6];
	_ =	sdelay $0x3  }
0x33: {  	p0 =	seq.s32 s10, $0x1;
	s10 =	sld [smem:$0x3FB8];
	_ =	sdelay $0x3  }
0x34: {  	[smem:$0x3FB8] =	sst s10  }
0x35: {  	s10 =	sld [smem:$0x3FB7];
	_ =	sdelay $0x3  }
0x36: {  	p1 =	seq.s32 s10, $0x1;
	s10 =	sld [smem:$0x3FB8];
	_ =	sdelay $0x3  }
0x37: {  	[smem:$0x3FB8] =	sst s10  }
0x38: {  	s10 =	sld [smem:$0x3FB9]  }
0x39: {  	_ = 	snop;
	(pc) =	sbr.ind lr, $3  }
0x3a: {  	_ = 	snop  }
0x3b: {  	_ = 	snop  }
0x3c: {  	p2 =	seq.s32 s10, $0x1;
	s10 =	sld [smem:$0x3FB8]  }
0x3d: {  	_ =	shalt  }
0x3e: {  	_ =	shalt  }
0x3f: {  	_ =	shalt  }
0x40: {  	_ =	shalt  }
0x41: {  	_ =	shalt  }
0x42: {  	_ =	shalt  }
0x43: {  	_ =	shalt  }
0x44: {  	_ =	shalt  }
0x45: {  	_ =	shalt  }
0x46: {  	_ =	shalt  }
0x47: {  	_ =	shalt  }
0x48: {  	_ =	shalt  }
0x49: {  	_ =	shalt  }
0x4a: {  	_ =	shalt  }
0x4b: {  	_ =	shalt  }
0x4c: {  	_ =	shalt  }
0x4d: {  	_ =	shalt  }
0x4e: {  	_ =	shalt  }
0x4f: {  	_ =	shalt  }
0x50: {  	_ =	shalt  }
0x51: {  	_ =	shalt  }
0x52: {  	_ =	shalt  }
0x53: {  	_ =	shalt  }
0x54: {  	_ =	shalt  }
0x55: {  	_ =	shalt  }
0x56: {  	_ =	shalt  }
0x57: {  	_ =	shalt  }
0x58: {  	_ =	shalt  }
0x59: {  	_ =	shalt  }
0x5a: {  	_ =	shalt  }
0x5b: {  	_ =	shalt  }
0x5c: {  	_ =	shalt  }
0x5d: {  	_ =	shalt  }
0x5e: {  	_ =	shalt  }
0x5f: {  	_ =	shalt  }
0x60: {  	_ =	shalt  }
0x61: {  	_ =	shalt  }
0x62: {  	_ =	shalt  }
0x63: {  	_ =	shalt  }
0x64: {  	_ =	shalt  }
0x65: {  	_ =	shalt  }
0x66: {  	_ =	shalt  }
0x67: {  	_ =	shalt  }
0x68: {  	_ =	shalt  }
0x69: {  	_ =	shalt  }
0x6a: {  	_ =	shalt  }
0x6b: {  	_ =	shalt  }
0x6c: {  	_ =	shalt  }
0x6d: {  	_ =	shalt  }
0x6e: {  	_ =	shalt  }
0x6f: {  	_ =	shalt  }
0x70: {  	_ =	shalt  }
0x71: {  	_ =	shalt  }
0x72: {  	_ =	shalt  }
0x73: {  	_ =	shalt  }
0x74: {  	_ =	shalt  }
0x75: {  	_ =	shalt  }
0x76: {  	_ =	shalt  }
0x77: {  	_ =	shalt  }
0x78: {  	_ =	shalt  }
0x79: {  	_ =	shalt  }
0x7a: {  	_ =	shalt  }
0x7b: {  	_ =	shalt  }
0x7c: {  	_ =	shalt  }
0x7d: {  	_ =	shalt  }
0x7e: {  	_ =	shalt  }
0x7f: {  	_ =	shalt  }
0x80: {  	_ =	shalt  }
0x81: {  	_ =	shalt  }
0x82: {  	_ =	shalt  }
0x83: {  	_ =	shalt  }
0x84: {  	_ =	shalt  }
0x85: {  	_ =	shalt  }
0x86: {  	_ =	shalt  }
0x87: {  	_ =	shalt  }
.Lfunc_end0:
.L_simem_size_0:
called_computation_lowered:
.L_overlay_start_0:
0x88: {  	s2 =	sld [smem:$0x3FD9]  }
0x89: {  	s3 =	sld [smem:$0x3FFE];
	_ =	sdelay $0x1  }
0x8a: {  	s1 =	srdreg.scid  }
0x8b: {  	s0 =	sand.u32 $0x1, s1  }
0x8c: {  	s17 =	sshll.u32 s0, $0xA;
	s2 =	sadd.s32 s3, s2  }
0x8d: {  	s2 =	sadd.s32 s2, s17  }
0x8e: {  	[smem:$0x3FC4] =	sst s2  }
0x8f: {  	_ = 	snop  }
0x90: {  	s2 =	sld [smem:$0x3FC9];
	(tm) =	ssettm $0x1  }
0x91: {  	s18 =	sld [smem:$0x3FFB];
	_ =	sdelay $0x3  }
0x92: {  	_ =	strace s18  }
0x93: {  	s3 =	sld [smem:$0x3FFC];
	_ =	sdelay $0x3  }
0x94: {  	_ =	strace s3  }
0x95: {  	s3 =	sld [smem:$0x3FFD];
	_ =	sdelay $0x3  }
0x96: {  	_ =	strace s3  }
0x97: {  	_ =	strace $0x8FFFFFFF  }
0x98: {  	s19 =	sld [smem:$0x3FDB];
	_ =	sdelay $0x1  }
0x99: {  	s4 =	simm.s32 $_scs_section_size  }
0x9a: {  	s5 =	simm.s32 $_size__tile_overlayer_lowered;
	s6 =	simm.s32 $_tile_overlayer_lowered  }
0x9b: {  	s22 =	simm.s32 $0x1BFF;
	s21 =	sshll.u32 s6, $0x1;
	s3 =	sadd.s32 s4, s19  }
0x9c: {  	s7 =	simm.s32 $0x0;
	s20 =	sshll.u32 s5, $0x1;
	s5 =	sadd.s32 s21, s3  }
0x9d: {  	[timem:s7], [sflag:s22] =	dma.local [hbm:s5], s20  }
0x9e: {  	_ =	swait.ge [sflag:s22], s20  }
0x9f: {  	s4 =	ssub.s32 $0x0, s20;
	[sflag:s22] =	ssyncset.done $0x0  }
0xa0: {  	[sflag:s22] =	ssyncadd.s32 s4;
	_ =	sdelay $0x1  }
0xa1: {  	s23 =	simm.s32 $0x1B8B  }
0xa2: {  	_ =	swait.ge [sflag:s23], $0x1  }
0xa3: {  	[sflag:s23] =	ssyncset.done $0x0  }
0xa4: {  	s25 =	simm.s32 $0x1B8E;
	s24 =	sld [smem:$0x3FFE];
	[sflag:s23] =	ssyncadd.s32 $0xFFFFFFFF  }
0xa5: {  	s26 =	simm.s32 $execute0_lowered;
	[smem:$0x3FD2] =	sst s25  }
0xa6: {  	s5 =	sshll.u32 s26, $0x1;
	_ =	strace $0x80000046;
	[dreg:$0x1] =	wrdreg $0xFFFFFFFF  }
0xa7: {  	s28 =	simm.s32 $_size_execute0_lowered;
	s3 =	sadd.s32 s3, s5;
	[dreg:$0x0] =	wrdreg $0x0  }
0xa8: {  	s5 =	sshll.u32 s28, $0x1;
	[dreg:$0x2] =	wrdreg s3  }
0xa9: {  	[dreg:$0x3] =	wrdreg s5  }
0xaa: {  	[dreg:$0x4] =	wrdreg $0xC0  }
0xab: {  	_ =	task [dreg:s7], $0x5FFFF  }
0xac: {  	[dreg:$0x1] =	wrdreg $0xFFFFFFFF  }
0xad: {  	[dreg:$0x0] =	wrdreg $0x60  }
0xae: {  	[dreg:$0x2] =	wrdreg s24  }
0xaf: {  	[dreg:$0x3] =	wrdreg s2  }
0xb0: {  	[dreg:$0x4] =	wrdreg $0x9  }
0xb1: {  	_ =	task.clear_ibuf [dreg:s7], $0x5FFFF;
	_ =	strace $0x90000046  }
0xb2: {  	s29 =	simm.s32 $0x9;
	_ =	strace $0x80000048  }
0xb3: {  	_ =	swait.ge [sflag:s29], $0x1  }
0xb4: {  	[sflag:s29] =	ssyncadd.s32 $0xFFFFFFFF  }
0xb5: {  	_ =	strace $0x90000048  }
0xb6: {  	_ =	sfence  }
0xb7: {  	s30 =	sld [smem:$0x0];
	_ =	sdelay $0x2  }
0xb8: {  	s31 =	sshll.u32 s1, $0xD;
	s1 =	sshrl.u32 s1, $0x2  }
0xb9: {  	s3 =	sand.u32 $0x4000, s31;
	s1 =	sadd.s32 s1, s30  }
0xba: {  	s0 =	sor.u32 s3, s0;
	s1 =	sshll.u32 s1, $0x11  }
0xbb: {  	s0 =	sor.u32 s1, s0  }
0xbc: {  	s0 =	sadd.s32 $0x8F2B, s0  }
0xbd: {  	[sflag:s0] =	ssyncadd.remote.s32 $0x1  }
0xbe: {  	_ =	sfence.sel $0xFFFF  }
0xbf: {  	[dreg:$0x0] =	wrdreg $0xFFFFFFFF;
	(pc) =	sbr.abs _section_cstart, $3  }
0xc0: {  	[dreg:$0x1] =	wrdreg $0xFFFFFFFF  }
0xc1: {  	_ =	task.clear_ibuf [dreg:s7], $0x2FFFF;
	_ =	strace $0x9FFFFFFF  }
0xc2: {  	(tm) =	ssettm $0x7FFFFFFF  }
0xc3: {  	_ =	shalt  }
tec
execute0_lowered:
.L_overlay_start_1:
0x0: {  	(tag) =	ssettag $0x1  }
0x1: {  	s1 =	srdreg.scid  }
0x2: {  	s8 =	rddreg [dreg:$0x0];
	s0 =	stileid.u32  }
0x3: {  	s3 =	rddreg [dreg:$0x1];
	s2 =	simm.s32 $0x0;
	s6 =	sand.u32 $0x1, s1  }
0x4: {  	s4 =	sshll.u32 s0, $0x8;
	s1 =	rddreg [dreg:$0x2];
	s5 =	sshll.u32 s6, $0x7  }
0x5: {  	s7 =	simm.s32 $0x1;
	[smem:$0x7FF] =	sst s2;
	s9 =	sor.u32 s5, s4  }
0x6: {  	_ =	strace $0x80000047;
	s10 =	ssub.s32 $0x2, s6;
	s4 =	sshrl.u32 s9, $0x3  }
0x7: {  	s6 =	simm.s32 $0x80;
	s4 =	sadd.s32 s3, s4;
	s3 =	simm.s32 $0x2  }
0x8: {  	[tilespmem:s2], [sflag:$0x2] =	stream.linear.gather [hbm4b:s4+s2], $0x80, $0x38;
	[tilespmem:$0x4080] =	vst v63  }
0x9: {  	s5 =	sadd.s32 $0xE00, s8;
	s11 =	sshrl.u32 s10, $0x1;
	_ =	swait.ge [sflag:s3], $0x80  }
0xa: {  	s9 =	sshll.u32 s9, $0x4;
	s31 =	ssub.s32 s10, s11;
	[sflag:s3] =	ssyncset.done $0x0  }
0xb: {  	s8 =	sadd.s32 s9, s8;
	s9 =	smax.u32 s31, $0x1;
	[sflag:s3] =	ssyncadd.s32 $0xFFFFFF80  }
0xc: {  	[tilespmem:s6], [sflag:$0x1] =	stream.indirect.gather [hbm4b:s5+s6], $0x80, s2, s6, $0xb8;
	[tilespmem:$0x4080] =	vst v63  }
0xd: {  	p0 =	sne.s32 s9, $0x1;
	_ =	swait.ge [sflag:s7], $0x4000  }
.Ltmp0:
0xe: {  	[sflag:s7] =	ssyncset.done $0x0;
	(pc) =	sbr.rel @!p0 .LBB2_2-.Ltmp0, $4  }
0xf: {  	s8 =	sadd.s32 $0x4E00, s8;
	[sflag:s7] =	ssyncadd.s32 $0xFFFFC000  }
0x10: {  	[hbm4b:s8+s2] =	stream.linear.scatter [tilespmem:s6], [sflag:$0x2], $0x4000, $0x38;
	[tilespmem:$0x4080] =	vst v63  }
0x11: {  	_ =	swait.ge [sflag:s3], $0x4000  }
0x12: {  	s9 =	sadd.s32 $0xFFFFFFFF, s9;
	[sflag:s3] =	ssyncset.done $0x0  }
.LBB2_1:
0x13: {  	p0 =	sne.s32 s9, $0x1;
	s9 =	sadd.s32 $0xFFFFFFFF, s9;
	[sflag:s3] =	ssyncadd.s32 $0xFFFFC000  }
0x14: {  	[tilespmem:s2], [sflag:$0x2] =	stream.linear.gather [hbm4b:s4+s2], $0x80, $0x38;
	[tilespmem:$0x4080] =	vst v63  }
0x15: {  	_ =	swait.ge [sflag:s3], $0x80  }
0x16: {  	[sflag:s3] =	ssyncset.done $0x0  }
0x17: {  	[sflag:s3] =	ssyncadd.s32 $0xFFFFFF80  }
0x18: {  	[tilespmem:s6], [sflag:$0x1] =	stream.indirect.gather [hbm4b:s5+s6], $0x80, s2, s6, $0xb8;
	[tilespmem:$0x4080] =	vst v63  }
0x19: {  	_ =	swait.ge [sflag:s7], $0x4000  }
.Ltmp1:
0x1a: {  	[sflag:s7] =	ssyncset.done $0x0;
	(pc) =	sbr.rel @p0 .LBB2_1-.Ltmp1, $4  }
0x1b: {  	[sflag:s7] =	ssyncadd.s32 $0xFFFFC000  }
0x1c: {  	[hbm4b:s8+s2] =	stream.linear.scatter [tilespmem:s6], [sflag:$0x2], $0x4000, $0x38;
	[tilespmem:$0x4080] =	vst v63  }
0x1d: {  	_ =	swait.ge [sflag:s3], $0x4000  }
0x1e: {  	[sflag:s3] =	ssyncset.done $0x0  }
.LBB2_2:
0x1f: {  	[sflag:s3] =	ssyncadd.s32 $0xFFFFC000  }
0x20: {  	_ =	sfence.sel $0x180000  }
0x21: {  	[bflag:$0x0] =	sbarrier.arrive $0xFFFF  }
0x22: {  	p0 =	sne.s32 s0, $0x0;
	_ =	strace $0x90000047  }
0x23: {  	s0 =	sadd.s32 @!p0 $0x100000, s1;
	[bflag:$0x2] =	sbarrier.arrive $0xFFFF  }
0x24: {  	[sflag:s0] =	ssyncadd.tile.s32 @!p0 $0x1;
	_ =	shalt  }
.Lfunc_end2:
_tile_overlayer_lowered:
.L_overlay_start_2:
0x25: {  	(tag) =	ssettag $0x2  }
0x26: {  	s0 =	rddreg [dreg:$0x0];
	s2 =	stileid.u32  }
0x27: {  	s1 =	rddreg [dreg:$0x1];
	p0 =	sne.s32 s2, $0x0  }
0x28: {  	s3 =	rddreg [dreg:$0x2];
	[bflag:$0x3] =	sbarrier.arrive $0xFFFF;
	s2 =	simm.s32 @!p0 $0x1C02  }
0x29: {  	[timem:s3], [sflag:s2] =	dma.local @!p0 [hbm:s0], s1  }
0x2a: {  	s0 =	simm.s32 @!p0 $0x2  }
0x2b: {  	_ =	swait.ge @!p0 [sflag:s0], s1  }
0x2c: {  	s1 =	ssub.s32 @!p0 $0x0, s1;
	[sflag:s0] =	ssyncset.done @!p0 $0x0  }
0x2d: {  	[sflag:s0] =	ssyncadd.s32 @!p0 s1  }
0x2e: {  	[bflag:$0x3] =	sbarrier.arrive $0xFFFF  }
0x2f: {  	_ =	shalt  }

</sc_bundles>
